<compile_context>
chip_gen: v7x
topology: tpu7x:2x2x1
jax: 0.10.2.dev20260603
libtpu: 0.0.44.dev20260713+nightly
codegen_flags: <defaults>
</compile_context>

<pallas_src>
import jax
import jax.numpy as jnp
import numpy as np
from jax import lax
from jax.experimental import pallas as pl
from jax.experimental.pallas import tpu as pltpu
from jax.experimental.pallas import tpu_sc as plsc

B = 256
NPG = 4096
N = B * NPG
D = 64
H = 128
NB = 65536
FMIN = float(np.finfo(np.float32).min)
FMAX = float(np.finfo(np.float32).max)

NWORKERS = 32
REGION = N // NWORKERS


GROWS = REGION // NPG


def _sc_mask_body(banned_ref, fill_ref, out_ref, idx_v, region_v):
    cid = lax.axis_index("c")
    sid = lax.axis_index("s")
    wid = sid * 2 + cid
    lo = wid * REGION
    pltpu.sync_copy(fill_ref, region_v)
    pltpu.sync_copy(banned_ref, idx_v)
    fminv = jnp.full((16,), FMIN, jnp.float32)

    def body(i, carry):
        v = idx_v[pl.ds(i * 16, 16)]
        lcl = v - lo
        m = (lcl >= 0) & (lcl < REGION)
        lc = jnp.clip(lcl, 0, REGION - 1)
        plsc.store_scatter(region_v, [lc >> 12, lc & (NPG - 1)], fminv, mask=m)
        return carry

    lax.fori_loop(0, NB // 16, body, 0, unroll=4)
    pltpu.sync_copy(region_v, out_ref.at[pl.ds(wid * GROWS, GROWS)])


def _sc_mask(banned_idx, fill):
    return pl.kernel(
        _sc_mask_body,
        out_type=jax.ShapeDtypeStruct((B, NPG), jnp.float32),
        mesh=plsc.VectorSubcoreMesh(core_axis_name="c", subcore_axis_name="s"),
        scratch_types=[
            pltpu.VMEM((NB,), jnp.int32),
            pltpu.VMEM((GROWS, NPG), jnp.float32),
        ],
        compiler_params=pltpu.CompilerParams(needs_layout_passes=False),
    )(banned_idx, fill)


G = 8
NBLK = G * NPG


def _tc_q_body(xt_ref, gt_ref, w1t_ref, b1_ref, w2_ref, b2_ref, q_ref):
    xt = xt_ref[...]
    gcols = gt_ref[0]
    gb = jnp.concatenate(
        [jnp.broadcast_to(gcols[:, g:g + 1], (D, NPG)) for g in range(G)],
        axis=1)
    ct = jnp.concatenate([xt, gb], axis=0)
    ht = lax.dot_general(w1t_ref[...], ct, (((1,), (0,)), ((), ())),
                         preferred_element_type=jnp.float32)
    ht = jnp.maximum(ht + b1_ref[...], 0.0)
    qs = [
        lax.dot_general(w2_ref[...], ht[:, g * NPG:(g + 1) * NPG],
                        (((1,), (0,)), ((), ())),
                        preferred_element_type=jnp.float32)
        for g in range(G)
    ]
    q_ref[...] = jnp.concatenate(qs, axis=0) + b2_ref[0, 0]


GR = 32


def _tc_red_body(q_ref, m_ref, act_ref, val_ref):
    qm = jnp.minimum(q_ref[...], m_ref[...])
    vmax = jnp.max(qm, axis=1, keepdims=True)
    ids = lax.broadcasted_iota(jnp.int32, (GR, NPG), 1)
    cand = jnp.where(qm == vmax, ids, NPG)
    amin = jnp.min(cand, axis=1, keepdims=True)
    act_ref[...] = amin
    val_ref[...] = vmax


def _tc_call(node_embed_t, gemb_t, mask2, W1t, b1c, w2r, b2s):
    q2 = pl.pallas_call(
        _tc_q_body,
        grid=(B // G,),
        in_specs=[
            pl.BlockSpec((D, NBLK), lambda g: (0, g)),
            pl.BlockSpec((1, D, G), lambda g: (g, 0, 0)),
            pl.BlockSpec((H, 2 * D), lambda g: (0, 0)),
            pl.BlockSpec((H, 1), lambda g: (0, 0)),
            pl.BlockSpec((1, H), lambda g: (0, 0)),
            pl.BlockSpec(memory_space=pltpu.SMEM),
        ],
        out_specs=pl.BlockSpec((G, NPG), lambda g: (g, 0)),
        out_shape=jax.ShapeDtypeStruct((B, NPG), jnp.float32),
        compiler_params=pltpu.CompilerParams(
            dimension_semantics=("parallel",),
        ),
    )(node_embed_t, gemb_t, W1t, b1c, w2r, b2s)
    acts, vals = pl.pallas_call(
        _tc_red_body,
        grid=(B // GR,),
        in_specs=[
            pl.BlockSpec((GR, NPG), lambda g: (g, 0)),
            pl.BlockSpec((GR, NPG), lambda g: (g, 0)),
        ],
        out_specs=[
            pl.BlockSpec((GR, 1), lambda g: (g, 0)),
            pl.BlockSpec((GR, 1), lambda g: (g, 0)),
        ],
        out_shape=[
            jax.ShapeDtypeStruct((B, 1), jnp.int32),
            jax.ShapeDtypeStruct((B, 1), jnp.float32),
        ],
        compiler_params=pltpu.CompilerParams(
            dimension_semantics=("arbitrary",),
        ),
    )(q2, mask2)
    return acts, vals


def kernel(node_embed, graph_embed, prefix_sum, banned_idx, W1, b1, W2, b2):
    fill = jnp.full((GROWS, NPG), FMAX, jnp.float32)
    mask2 = _sc_mask(banned_idx, fill)
    xt = node_embed.T
    gt = graph_embed.reshape(B // G, G, D).transpose(0, 2, 1)
    W1t = W1.T
    b1c = b1.reshape(H, 1)
    w2r = W2.reshape(1, H)
    b2s = b2.reshape(1, 1)
    acts, vals = _tc_call(xt, gt, mask2, W1t, b1c, w2r, b2s)
    return (acts.reshape(B).astype(prefix_sum.dtype), vals.reshape(B))

# --- scband reference (transcript-rebuilt; emitter-appended) ---
"""Pipeline reference for scband-qnet-55147380081220 (READ-ONLY COPY).

The authoritative reference and input builder live on the scoring server;
editing this copy changes nothing except your own understanding.
"""

import jax, jax.numpy as jnp
import numpy as np

B = 256
NODES_PER_GRAPH = 4096
N = B * NODES_PER_GRAPH
D = 64      # latent_dim
H = 128     # hidden
NB = 65536  # number of banned actions
FMIN = float(np.finfo(np.float32).min)


def setup_inputs(seed: int = 0) -> dict:
    key = jax.random.key(seed)
    ks = jax.random.split(key, 8)
    node_embed = jax.random.normal(ks[0], (N, D), dtype=jnp.float32)
    graph_embed = jax.random.normal(ks[1], (B, D), dtype=jnp.float32)
    # prefix sum of node counts per graph (equal-size graphs)
    prefix_sum = (jnp.arange(1, B + 1) * NODES_PER_GRAPH).astype(jnp.int32)
    banned_idx = jax.random.randint(ks[2], (NB,), 0, N, dtype=jnp.int32)
    # learned params: linear_1 (2*D -> H), linear_out (H -> 1)
    W1 = jax.random.normal(ks[3], (2 * D, H), dtype=jnp.float32) * 0.05
    b1 = jnp.zeros((H,), dtype=jnp.float32)
    W2 = jax.random.normal(ks[4], (H, 1), dtype=jnp.float32) * 0.05
    b2 = jnp.zeros((1,), dtype=jnp.float32)
    return {
        "node_embed": node_embed,
        "graph_embed": graph_embed,
        "prefix_sum": prefix_sum,
        "banned_idx": banned_idx,
        "W1": W1, "b1": b1, "W2": W2, "b2": b2,
    }


def reference(node_embed, graph_embed, prefix_sum, banned_idx, W1, b1, W2, b2):
    N_ = node_embed.shape[0]
    B_ = prefix_sum.shape[0]
    # rep_global_embed: repeat each graph embedding for every node of that graph
    node_ids = jnp.arange(N_)
    seg = jnp.searchsorted(prefix_sum, node_ids, side="right")  # segment id per node
    rep = jnp.take(graph_embed, seg, axis=0)
    # QNet head: concat(node, graph) -> linear_1 -> relu -> linear_out
    embed_s_a = jnp.concatenate([node_embed, rep], axis=1)
    h = jax.nn.relu(embed_s_a @ W1 + b1)
    q = (h @ W2 + b2).reshape(-1)
    # greedy_actions: index_fill banned actions with float32 min
    q = q.at[banned_idx].set(jnp.float32(FMIN))
    # jmax: per-graph (segment) argmax over prefix-sum delimited ranges
    values = jax.ops.segment_max(q, seg, num_segments=B_)
    is_max = q == jnp.take(values, seg)
    cand = jnp.where(is_max, node_ids, N_)
    global_argmax = jax.ops.segment_min(cand, seg, num_segments=B_)
    starts = jnp.concatenate([jnp.zeros((1,), dtype=prefix_sum.dtype), prefix_sum[:-1]])
    actions = global_argmax.astype(prefix_sum.dtype) - starts
    return (actions, values)

if __name__ == "__main__":
    import jax
    _d = setup_inputs()
    print(jax.jit(kernel)(*tuple(_d.values())))

</pallas_src>

<mosaic_0001>
#map = affine_map<(d0, d1) -> (0)>
#map1 = affine_map<(d0, d1) -> (0, 0)>
module attributes {stable_mosaic.version = 14 : i64} {
  func.func @_sc_mask_body(%arg0: i32, %arg1: i32, %arg2: memref<65536xi32, #tpu.memory_space<hbm>>, %arg3: memref<8x4096xf32, #tpu.memory_space<hbm>>, %arg4: memref<256x4096xf32, #tpu.memory_space<hbm>>, %arg5: memref<65536xi32, #tpu.memory_space<vmem>>, %arg6: memref<8x4096xf32, #tpu.memory_space<vmem>>) attributes {dimension_semantics = [#tpu.dimension_semantics<core_parallel>, #tpu.dimension_semantics<subcore_parallel>], iteration_bounds = array<i64: 2, 16>, scalar_prefetch = 0 : i64, scratch_operands = 2 : i64, tpu.core_type = #tpu.core_type<sc_vector_subcore>, window_params = [{transform_indices = #map}, {transform_indices = #map1}, {transform_indices = #map1}]} {
    %mul3A = arith.constant 2 : i32
    %mul3A_0 = arith.muli %arg1, %mul3A : i32
    %add3A = arith.addi %mul3A_0, %arg0 : i32
    %mul3A_1 = arith.constant 32768 : i32
    %mul3A_2 = arith.muli %add3A, %mul3A_1 : i32
    "tpu.region"() ({
      %run_scoped3A = tpu.sem_alloc : memref<!tpu.dma_semaphore, #tpu.memory_space<semaphore_mem>>
      tpu.enqueue_dma source(%arg3 : memref<8x4096xf32, #tpu.memory_space<hbm>>) target(%arg6 : memref<8x4096xf32, #tpu.memory_space<vmem>>) target_semaphore(%run_scoped3A : memref<!tpu.dma_semaphore, #tpu.memory_space<semaphore_mem>>)
      tpu.wait_dma2 semaphore(%run_scoped3A : memref<!tpu.dma_semaphore, #tpu.memory_space<semaphore_mem>>) src(%arg3 : memref<8x4096xf32, #tpu.memory_space<hbm>>) dst(%arg6 : memref<8x4096xf32, #tpu.memory_space<vmem>>)
      tpu.yield
    }) : () -> ()
    "tpu.region"() ({
      %run_scoped3A = tpu.sem_alloc : memref<!tpu.dma_semaphore, #tpu.memory_space<semaphore_mem>>
      tpu.enqueue_dma source(%arg2 : memref<65536xi32, #tpu.memory_space<hbm>>) target(%arg5 : memref<65536xi32, #tpu.memory_space<vmem>>) target_semaphore(%run_scoped3A : memref<!tpu.dma_semaphore, #tpu.memory_space<semaphore_mem>>)
      tpu.wait_dma2 semaphore(%run_scoped3A : memref<!tpu.dma_semaphore, #tpu.memory_space<semaphore_mem>>) src(%arg2 : memref<65536xi32, #tpu.memory_space<hbm>>) dst(%arg5 : memref<65536xi32, #tpu.memory_space<vmem>>)
      tpu.yield
    }) : () -> ()
    %broadcast_in_dim3A = arith.constant -3.40282347E+38 : f32
    %broadcast_in_dim3A_3 = vector.broadcast %broadcast_in_dim3A : f32 to vector<16xf32>
    %scan3A = arith.constant 0 : i32
    %scan3A_4 = arith.constant 0 : i32
    %scan3A_5 = arith.constant 4096 : i32
    %scan3A_6 = arith.addi %scan3A_4, %scan3A_5 : i32
    %scan3A_7 = arith.constant 4 : i32
    scf.for %scan3A_11 = %scan3A_4 to %scan3A_6 step %scan3A_7  : i32 {
      %mul3A_12 = arith.constant 16 : i32
      %mul3A_13 = arith.muli %scan3A_11, %mul3A_12 : i32
      %get3A = arith.index_cast %mul3A_13 : i32 to index
      %get3A_14 = tpu.vector_load %arg5[%get3A] {strides = array<i32>} : memref<65536xi32, #tpu.memory_space<vmem>>, vector<16xi32>,
      %sub3A = vector.broadcast %mul3A_2 : i32 to vector<16xi32>
      %sub3A_15 = arith.subi %get3A_14, %sub3A : vector<16xi32>
      %ge3A = arith.constant 0 : i32
      %ge3A_16 = vector.broadcast %ge3A : i32 to vector<16xi32>
      %ge3A_17 = arith.cmpi sge, %sub3A_15, %ge3A_16 : vector<16xi32>
      %lt3A = arith.constant 32768 : i32
      %lt3A_18 = vector.broadcast %lt3A : i32 to vector<16xi32>
      %lt3A_19 = arith.cmpi slt, %sub3A_15, %lt3A_18 : vector<16xi32>
      %and3A = arith.andi %ge3A_17, %lt3A_19 : vector<16xi1>
      %jit3A = arith.constant 0 : i32
      %jit3A_20 = arith.constant 32767 : i32
      %max3A = vector.broadcast %jit3A : i32 to vector<16xi32>
      %max3A_21 = arith.maxsi %max3A, %sub3A_15 : vector<16xi32>
      %min3A = vector.broadcast %jit3A_20 : i32 to vector<16xi32>
      %min3A_22 = arith.minsi %min3A, %max3A_21 : vector<16xi32>
      %shift_right_arithmetic3A = arith.constant 12 : i32
      %shift_right_arithmetic3A_23 = vector.broadcast %shift_right_arithmetic3A : i32 to vector<16xi32>
      %shift_right_arithmetic3A_24 = arith.shrsi %min3A_22, %shift_right_arithmetic3A_23 : vector<16xi32>
      %and3A_25 = arith.constant 4095 : i32
      %and3A_26 = vector.broadcast %and3A_25 : i32 to vector<16xi32>
      %and3A_27 = arith.andi %min3A_22, %and3A_26 : vector<16xi32>
      tpu.vector_store_idx %arg6[%shift_right_arithmetic3A_24, %and3A_27], %broadcast_in_dim3A_3 masked %and3A : memref<8x4096xf32, #tpu.memory_space<vmem>>[vector<16xi32>, vector<16xi32>], vector<16xf32>, vector<16xi1>
      %scan3A_28 = arith.constant 1 : i32
      %scan3A_29 = arith.addi %scan3A_11, %scan3A_28 : i32
      %mul3A_30 = arith.constant 16 : i32
      %mul3A_31 = arith.muli %scan3A_29, %mul3A_30 : i32
      %get3A_32 = arith.index_cast %mul3A_31 : i32 to index
      %get3A_33 = tpu.vector_load %arg5[%get3A_32] {strides = array<i32>} : memref<65536xi32, #tpu.memory_space<vmem>>, vector<16xi32>,
      %sub3A_34 = vector.broadcast %mul3A_2 : i32 to vector<16xi32>
      %sub3A_35 = arith.subi %get3A_33, %sub3A_34 : vector<16xi32>
      %ge3A_36 = arith.constant 0 : i32
      %ge3A_37 = vector.broadcast %ge3A_36 : i32 to vector<16xi32>
      %ge3A_38 = arith.cmpi sge, %sub3A_35, %ge3A_37 : vector<16xi32>
      %lt3A_39 = arith.constant 32768 : i32
      %lt3A_40 = vector.broadcast %lt3A_39 : i32 to vector<16xi32>
      %lt3A_41 = arith.cmpi slt, %sub3A_35, %lt3A_40 : vector<16xi32>
      %and3A_42 = arith.andi %ge3A_38, %lt3A_41 : vector<16xi1>
      %jit3A_43 = arith.constant 0 : i32
      %jit3A_44 = arith.constant 32767 : i32
      %max3A_45 = vector.broadcast %jit3A_43 : i32 to vector<16xi32>
      %max3A_46 = arith.maxsi %max3A_45, %sub3A_35 : vector<16xi32>
      %min3A_47 = vector.broadcast %jit3A_44 : i32 to vector<16xi32>
      %min3A_48 = arith.minsi %min3A_47, %max3A_46 : vector<16xi32>
      %shift_right_arithmetic3A_49 = arith.constant 12 : i32
      %shift_right_arithmetic3A_50 = vector.broadcast %shift_right_arithmetic3A_49 : i32 to vector<16xi32>
      %shift_right_arithmetic3A_51 = arith.shrsi %min3A_48, %shift_right_arithmetic3A_50 : vector<16xi32>
      %and3A_52 = arith.constant 4095 : i32
      %and3A_53 = vector.broadcast %and3A_52 : i32 to vector<16xi32>
      %and3A_54 = arith.andi %min3A_48, %and3A_53 : vector<16xi32>
      tpu.vector_store_idx %arg6[%shift_right_arithmetic3A_51, %and3A_54], %broadcast_in_dim3A_3 masked %and3A_42 : memref<8x4096xf32, #tpu.memory_space<vmem>>[vector<16xi32>, vector<16xi32>], vector<16xf32>, vector<16xi1>
      %scan3A_55 = arith.constant 2 : i32
      %scan3A_56 = arith.addi %scan3A_11, %scan3A_55 : i32
      %mul3A_57 = arith.constant 16 : i32
      %mul3A_58 = arith.muli %scan3A_56, %mul3A_57 : i32
      %get3A_59 = arith.index_cast %mul3A_58 : i32 to index
      %get3A_60 = tpu.vector_load %arg5[%get3A_59] {strides = array<i32>} : memref<65536xi32, #tpu.memory_space<vmem>>, vector<16xi32>,
      %sub3A_61 = vector.broadcast %mul3A_2 : i32 to vector<16xi32>
      %sub3A_62 = arith.subi %get3A_60, %sub3A_61 : vector<16xi32>
      %ge3A_63 = arith.constant 0 : i32
      %ge3A_64 = vector.broadcast %ge3A_63 : i32 to vector<16xi32>
      %ge3A_65 = arith.cmpi sge, %sub3A_62, %ge3A_64 : vector<16xi32>
      %lt3A_66 = arith.constant 32768 : i32
      %lt3A_67 = vector.broadcast %lt3A_66 : i32 to vector<16xi32>
      %lt3A_68 = arith.cmpi slt, %sub3A_62, %lt3A_67 : vector<16xi32>
      %and3A_69 = arith.andi %ge3A_65, %lt3A_68 : vector<16xi1>
      %jit3A_70 = arith.constant 0 : i32
      %jit3A_71 = arith.constant 32767 : i32
      %max3A_72 = vector.broadcast %jit3A_70 : i32 to vector<16xi32>
      %max3A_73 = arith.maxsi %max3A_72, %sub3A_62 : vector<16xi32>
      %min3A_74 = vector.broadcast %jit3A_71 : i32 to vector<16xi32>
      %min3A_75 = arith.minsi %min3A_74, %max3A_73 : vector<16xi32>
      %shift_right_arithmetic3A_76 = arith.constant 12 : i32
      %shift_right_arithmetic3A_77 = vector.broadcast %shift_right_arithmetic3A_76 : i32 to vector<16xi32>
      %shift_right_arithmetic3A_78 = arith.shrsi %min3A_75, %shift_right_arithmetic3A_77 : vector<16xi32>
      %and3A_79 = arith.constant 4095 : i32
      %and3A_80 = vector.broadcast %and3A_79 : i32 to vector<16xi32>
      %and3A_81 = arith.andi %min3A_75, %and3A_80 : vector<16xi32>
      tpu.vector_store_idx %arg6[%shift_right_arithmetic3A_78, %and3A_81], %broadcast_in_dim3A_3 masked %and3A_69 : memref<8x4096xf32, #tpu.memory_space<vmem>>[vector<16xi32>, vector<16xi32>], vector<16xf32>, vector<16xi1>
      %scan3A_82 = arith.constant 3 : i32
      %scan3A_83 = arith.addi %scan3A_11, %scan3A_82 : i32
      %mul3A_84 = arith.constant 16 : i32
      %mul3A_85 = arith.muli %scan3A_83, %mul3A_84 : i32
      %get3A_86 = arith.index_cast %mul3A_85 : i32 to index
      %get3A_87 = tpu.vector_load %arg5[%get3A_86] {strides = array<i32>} : memref<65536xi32, #tpu.memory_space<vmem>>, vector<16xi32>,
      %sub3A_88 = vector.broadcast %mul3A_2 : i32 to vector<16xi32>
      %sub3A_89 = arith.subi %get3A_87, %sub3A_88 : vector<16xi32>
      %ge3A_90 = arith.constant 0 : i32
      %ge3A_91 = vector.broadcast %ge3A_90 : i32 to vector<16xi32>
      %ge3A_92 = arith.cmpi sge, %sub3A_89, %ge3A_91 : vector<16xi32>
      %lt3A_93 = arith.constant 32768 : i32
      %lt3A_94 = vector.broadcast %lt3A_93 : i32 to vector<16xi32>
      %lt3A_95 = arith.cmpi slt, %sub3A_89, %lt3A_94 : vector<16xi32>
      %and3A_96 = arith.andi %ge3A_92, %lt3A_95 : vector<16xi1>
      %jit3A_97 = arith.constant 0 : i32
      %jit3A_98 = arith.constant 32767 : i32
      %max3A_99 = vector.broadcast %jit3A_97 : i32 to vector<16xi32>
      %max3A_100 = arith.maxsi %max3A_99, %sub3A_89 : vector<16xi32>
      %min3A_101 = vector.broadcast %jit3A_98 : i32 to vector<16xi32>
      %min3A_102 = arith.minsi %min3A_101, %max3A_100 : vector<16xi32>
      %shift_right_arithmetic3A_103 = arith.constant 12 : i32
      %shift_right_arithmetic3A_104 = vector.broadcast %shift_right_arithmetic3A_103 : i32 to vector<16xi32>
      %shift_right_arithmetic3A_105 = arith.shrsi %min3A_102, %shift_right_arithmetic3A_104 : vector<16xi32>
      %and3A_106 = arith.constant 4095 : i32
      %and3A_107 = vector.broadcast %and3A_106 : i32 to vector<16xi32>
      %and3A_108 = arith.andi %min3A_102, %and3A_107 : vector<16xi32>
      tpu.vector_store_idx %arg6[%shift_right_arithmetic3A_105, %and3A_108], %broadcast_in_dim3A_3 masked %and3A_96 : memref<8x4096xf32, #tpu.memory_space<vmem>>[vector<16xi32>, vector<16xi32>], vector<16xf32>, vector<16xi1>
    }
    %scan3A_8 = arith.constant 4096 : i32
    %mul3A_9 = arith.constant 8 : i32
    %mul3A_10 = arith.muli %add3A, %mul3A_9 : i32
    "tpu.region"() ({
      %run_scoped3A = tpu.sem_alloc : memref<!tpu.dma_semaphore, #tpu.memory_space<semaphore_mem>>
      %dma_start3A = arith.constant 0 : i32
      %dma_start3A_11 = tpu.memref_slice %arg4[%mul3A_10, %dma_start3A] : memref<256x4096xf32, #tpu.memory_space<hbm>> -> memref<8x4096xf32, #tpu.memory_space<hbm>>
      %dma_start3A_12 = arith.constant 0 : i32
      %dma_start3A_13 = tpu.memref_slice %arg4[%mul3A_10, %dma_start3A_12] : memref<256x4096xf32, #tpu.memory_space<hbm>> -> memref<8x4096xf32, #tpu.memory_space<hbm>>
      tpu.enqueue_dma source(%arg6 : memref<8x4096xf32, #tpu.memory_space<vmem>>) target(%dma_start3A_13 : memref<8x4096xf32, #tpu.memory_space<hbm>>) target_semaphore(%run_scoped3A : memref<!tpu.dma_semaphore, #tpu.memory_space<semaphore_mem>>)
      %dma_wait3A = arith.constant 0 : i32
      %dma_wait3A_14 = tpu.memref_slice %arg4[%mul3A_10, %dma_wait3A] : memref<256x4096xf32, #tpu.memory_space<hbm>> -> memref<8x4096xf32, #tpu.memory_space<hbm>>
      %dma_wait3A_15 = arith.constant 0 : i32
      %dma_wait3A_16 = tpu.memref_slice %arg4[%mul3A_10, %dma_wait3A_15] : memref<256x4096xf32, #tpu.memory_space<hbm>> -> memref<8x4096xf32, #tpu.memory_space<hbm>>
      tpu.wait_dma2 semaphore(%run_scoped3A : memref<!tpu.dma_semaphore, #tpu.memory_space<semaphore_mem>>) src(%arg6 : memref<8x4096xf32, #tpu.memory_space<vmem>>) dst(%dma_wait3A_16 : memref<8x4096xf32, #tpu.memory_space<hbm>>)
      tpu.yield
    }) : () -> ()
    return
  }
}

module attributes {stable_mosaic.version = 14 : i64} {
  func.func @_tc_red_body(%arg0: i32, %arg1: memref<32x4096xf32, #tpu.memory_space<vmem>>, %arg2: memref<32x4096xf32, #tpu.memory_space<vmem>>, %arg3: memref<32x1xi32, #tpu.memory_space<vmem>>, %arg4: memref<32x1xf32, #tpu.memory_space<vmem>>) attributes {dimension_semantics = [#tpu.dimension_semantics<arbitrary>], iteration_bounds = array<i64: 8>, scalar_prefetch = 0 : i64, scratch_operands = 0 : i64, tpu.core_type = #tpu.core_type<tc>, window_params = [{transform_indices = @transform_0, window_bounds = array<i64: 32, 4096>}, {transform_indices = @transform_1, window_bounds = array<i64: 32, 4096>}, {transform_indices = @transform_2, window_bounds = array<i64: 32, 1>}, {transform_indices = @transform_3, window_bounds = array<i64: 32, 1>}]} {
    %get3A = arith.constant 0 : index
    %get3A_0 = arith.constant 0 : index
    %get3A_1 = vector.load %arg1[%get3A, %get3A_0] : memref<32x4096xf32, #tpu.memory_space<vmem>>, vector<32x4096xf32>
    %get3A_2 = arith.constant 0 : index
    %get3A_3 = arith.constant 0 : index
    %get3A_4 = vector.load %arg2[%get3A_2, %get3A_3] : memref<32x4096xf32, #tpu.memory_space<vmem>>, vector<32x4096xf32>
    %min3A = arith.minimumf %get3A_1, %get3A_4 : vector<32x4096xf32>
    %reduce_max3A = arith.constant dense<0xFF800000> : vector<32xf32>
    %reduce_max3A_5 = vector.multi_reduction <maximumf>, %min3A, %reduce_max3A [1] : vector<32x4096xf32> to vector<32xf32>
    %broadcast_in_dim3A = vector.shape_cast %reduce_max3A_5 : vector<32xf32> to vector<32x1xf32>
    %iota3A = tpu.iota {dimensions = array<i32: 1>} : vector<32x4096xi32>
    %eq3A = vector.broadcast %broadcast_in_dim3A : vector<32x1xf32> to vector<32x4096xf32>
    %eq3A_6 = arith.cmpf oeq, %min3A, %eq3A : vector<32x4096xf32>
    %jit3A = arith.constant 4096 : i32
    %broadcast_in_dim3A_7 = vector.broadcast %jit3A : i32 to vector<32x4096xi32>
    %select_n3A = arith.select %eq3A_6, %iota3A, %broadcast_in_dim3A_7 : vector<32x4096xi1>, vector<32x4096xi32>
    %reduce_min3A = arith.constant dense<2147483647> : vector<32xi32>
    %reduce_min3A_8 = vector.multi_reduction <minsi>, %select_n3A, %reduce_min3A [1] : vector<32x4096xi32> to vector<32xi32>
    %broadcast_in_dim3A_9 = vector.shape_cast %reduce_min3A_8 : vector<32xi32> to vector<32x1xi32>
    %swap3A = arith.constant 0 : index
    %swap3A_10 = arith.constant 0 : index
    %swap3A_11 = vector.load %arg3[%swap3A, %swap3A_10] : memref<32x1xi32, #tpu.memory_space<vmem>>, vector<32x1xi32>
    tpu.vector_store %arg3[%swap3A, %swap3A_10], %broadcast_in_dim3A_9 {strides = array<i32>} : memref<32x1xi32, #tpu.memory_space<vmem>>, vector<32x1xi32>,
    %swap3A_12 = arith.constant 0 : index
    %swap3A_13 = arith.constant 0 : index
    %swap3A_14 = vector.load %arg4[%swap3A_12, %swap3A_13] : memref<32x1xf32, #tpu.memory_space<vmem>>, vector<32x1xf32>
    tpu.vector_store %arg4[%swap3A_12, %swap3A_13], %broadcast_in_dim3A {strides = array<i32>} : memref<32x1xf32, #tpu.memory_space<vmem>>, vector<32x1xf32>,
    return
  }
  func.func @transform_0(%arg0: i32) -> (i32, i32) {
    %c0_i32 = arith.constant 0 : i32
    %c0_i32_0 = arith.constant 0 : i32
    return %arg0, %c0_i32 : i32, i32
  }
  func.func @transform_1(%arg0: i32) -> (i32, i32) {
    %c0_i32 = arith.constant 0 : i32
    %c0_i32_0 = arith.constant 0 : i32
    return %arg0, %c0_i32 : i32, i32
  }
  func.func @transform_2(%arg0: i32) -> (i32, i32) {
    %c0_i32 = arith.constant 0 : i32
    %c0_i32_0 = arith.constant 0 : i32
    return %arg0, %c0_i32 : i32, i32
  }
  func.func @transform_3(%arg0: i32) -> (i32, i32) {
    %c0_i32 = arith.constant 0 : i32
    %c0_i32_0 = arith.constant 0 : i32
    return %arg0, %c0_i32 : i32, i32
  }
}

module attributes {stable_mosaic.version = 14 : i64} {
  func.func @_tc_q_body(%arg0: i32, %arg1: memref<64x32768xf32, #tpu.memory_space<vmem>>, %arg2: memref<1x64x8xf32, #tpu.memory_space<vmem>>, %arg3: memref<128x128xf32, #tpu.memory_space<vmem>>, %arg4: memref<128x1xf32, #tpu.memory_space<vmem>>, %arg5: memref<1x128xf32, #tpu.memory_space<vmem>>, %arg6: memref<1x1xf32, #tpu.memory_space<smem>>, %arg7: memref<8x4096xf32, #tpu.memory_space<vmem>>) attributes {dimension_semantics = [#tpu.dimension_semantics<parallel>], iteration_bounds = array<i64: 32>, scalar_prefetch = 0 : i64, scratch_operands = 0 : i64, tpu.core_type = #tpu.core_type<tc>, window_params = [{transform_indices = @transform_0, window_bounds = array<i64: 64, 32768>}, {transform_indices = @transform_1, window_bounds = array<i64: 1, 64, 8>}, {pipeline_mode = #tpu.pipeline_mode<synchronous>, transform_indices = @transform_2, window_bounds = array<i64: 128, 128>}, {pipeline_mode = #tpu.pipeline_mode<synchronous>, transform_indices = @transform_3, window_bounds = array<i64: 128, 1>}, {pipeline_mode = #tpu.pipeline_mode<synchronous>, transform_indices = @transform_4, window_bounds = array<i64: 1, 128>}, {transform_indices = @transform_5, window_bounds = array<i64: 1, 1>}, {transform_indices = @transform_6, window_bounds = array<i64: 8, 4096>}]} {
    %get3A = arith.constant 0 : index
    %get3A_0 = arith.constant 0 : index
    %get3A_1 = vector.load %arg1[%get3A, %get3A_0] : memref<64x32768xf32, #tpu.memory_space<vmem>>, vector<64x32768xf32>
    %get3A_2 = arith.constant 0 : index
    %get3A_3 = arith.constant 0 : index
    %get3A_4 = arith.constant 0 : index
    %get3A_5 = vector.load %arg2[%get3A_2, %get3A_3, %get3A_4] : memref<1x64x8xf32, #tpu.memory_space<vmem>>, vector<1x64x8xf32>
    %get3A_6 = vector.shape_cast %get3A_5 : vector<1x64x8xf32> to vector<64x8xf32>
    %slice3A = vector.extract_strided_slice %get3A_6 {offsets = [0, 0], sizes = [64, 1], strides = [1, 1]} : vector<64x8xf32> to vector<64x1xf32>
    %broadcast_in_dim3A = vector.shape_cast %slice3A : vector<64x1xf32> to vector<64x1xf32>
    %broadcast_in_dim3A_7 = vector.broadcast %broadcast_in_dim3A : vector<64x1xf32> to vector<64x4096xf32>
    %slice3A_8 = vector.extract_strided_slice %get3A_6 {offsets = [0, 1], sizes = [64, 1], strides = [1, 1]} : vector<64x8xf32> to vector<64x1xf32>
    %broadcast_in_dim3A_9 = vector.shape_cast %slice3A_8 : vector<64x1xf32> to vector<64x1xf32>
    %broadcast_in_dim3A_10 = vector.broadcast %broadcast_in_dim3A_9 : vector<64x1xf32> to vector<64x4096xf32>
    %slice3A_11 = vector.extract_strided_slice %get3A_6 {offsets = [0, 2], sizes = [64, 1], strides = [1, 1]} : vector<64x8xf32> to vector<64x1xf32>
    %broadcast_in_dim3A_12 = vector.shape_cast %slice3A_11 : vector<64x1xf32> to vector<64x1xf32>
    %broadcast_in_dim3A_13 = vector.broadcast %broadcast_in_dim3A_12 : vector<64x1xf32> to vector<64x4096xf32>
    %slice3A_14 = vector.extract_strided_slice %get3A_6 {offsets = [0, 3], sizes = [64, 1], strides = [1, 1]} : vector<64x8xf32> to vector<64x1xf32>
    %broadcast_in_dim3A_15 = vector.shape_cast %slice3A_14 : vector<64x1xf32> to vector<64x1xf32>
    %broadcast_in_dim3A_16 = vector.broadcast %broadcast_in_dim3A_15 : vector<64x1xf32> to vector<64x4096xf32>
    %slice3A_17 = vector.extract_strided_slice %get3A_6 {offsets = [0, 4], sizes = [64, 1], strides = [1, 1]} : vector<64x8xf32> to vector<64x1xf32>
    %broadcast_in_dim3A_18 = vector.shape_cast %slice3A_17 : vector<64x1xf32> to vector<64x1xf32>
    %broadcast_in_dim3A_19 = vector.broadcast %broadcast_in_dim3A_18 : vector<64x1xf32> to vector<64x4096xf32>
    %slice3A_20 = vector.extract_strided_slice %get3A_6 {offsets = [0, 5], sizes = [64, 1], strides = [1, 1]} : vector<64x8xf32> to vector<64x1xf32>
    %broadcast_in_dim3A_21 = vector.shape_cast %slice3A_20 : vector<64x1xf32> to vector<64x1xf32>
    %broadcast_in_dim3A_22 = vector.broadcast %broadcast_in_dim3A_21 : vector<64x1xf32> to vector<64x4096xf32>
    %slice3A_23 = vector.extract_strided_slice %get3A_6 {offsets = [0, 6], sizes = [64, 1], strides = [1, 1]} : vector<64x8xf32> to vector<64x1xf32>
    %broadcast_in_dim3A_24 = vector.shape_cast %slice3A_23 : vector<64x1xf32> to vector<64x1xf32>
    %broadcast_in_dim3A_25 = vector.broadcast %broadcast_in_dim3A_24 : vector<64x1xf32> to vector<64x4096xf32>
    %slice3A_26 = vector.extract_strided_slice %get3A_6 {offsets = [0, 7], sizes = [64, 1], strides = [1, 1]} : vector<64x8xf32> to vector<64x1xf32>
    %broadcast_in_dim3A_27 = vector.shape_cast %slice3A_26 : vector<64x1xf32> to vector<64x1xf32>
    %broadcast_in_dim3A_28 = vector.broadcast %broadcast_in_dim3A_27 : vector<64x1xf32> to vector<64x4096xf32>
    %concatenate3A = tpu.concatenate %broadcast_in_dim3A_7, %broadcast_in_dim3A_10, %broadcast_in_dim3A_13, %broadcast_in_dim3A_16, %broadcast_in_dim3A_19, %broadcast_in_dim3A_22, %broadcast_in_dim3A_25, %broadcast_in_dim3A_28 in 1 : vector<64x4096xf32>, vector<64x4096xf32>, vector<64x4096xf32>, vector<64x4096xf32>, vector<64x4096xf32>, vector<64x4096xf32>, vector<64x4096xf32>, vector<64x4096xf32> -> vector<64x32768xf32>
    %concatenate3A_29 = tpu.concatenate %get3A_1, %concatenate3A in 0 : vector<64x32768xf32>, vector<64x32768xf32> -> vector<128x32768xf32>
    %get3A_30 = arith.constant 0 : index
    %get3A_31 = arith.constant 0 : index
    %get3A_32 = vector.load %arg3[%get3A_30, %get3A_31] : memref<128x128xf32, #tpu.memory_space<vmem>>, vector<128x128xf32>
    %dot_general3A = arith.constant dense<0.000000e+00> : vector<128x32768xf32>
    %dot_general3A_33 = tpu.matmul %get3A_32, %concatenate3A_29, %dot_general3A {dimension_numbers = #tpu.dot_dimension_numbers<[1], [0], [0], [1], [0, 0, 1, 1], [], []>, transpose_lhs_hint = false} : vector<128x128xf32>, vector<128x32768xf32>, vector<128x32768xf32> -> vector<128x32768xf32>
    %get3A_34 = arith.constant 0 : index
    %get3A_35 = arith.constant 0 : index
    %get3A_36 = vector.load %arg4[%get3A_34, %get3A_35] : memref<128x1xf32, #tpu.memory_space<vmem>>, vector<128x1xf32>
    %add3A = vector.broadcast %get3A_36 : vector<128x1xf32> to vector<128x32768xf32>
    %add3A_37 = arith.addf %dot_general3A_33, %add3A : vector<128x32768xf32>
    %max3A = arith.constant 0.000000e+00 : f32
    %max3A_38 = vector.broadcast %max3A : f32 to vector<128x32768xf32>
    %max3A_39 = arith.maximumf %add3A_37, %max3A_38 : vector<128x32768xf32>
    %get3A_40 = arith.constant 0 : index
    %get3A_41 = arith.constant 0 : index
    %get3A_42 = vector.load %arg5[%get3A_40, %get3A_41] : memref<1x128xf32, #tpu.memory_space<vmem>>, vector<1x128xf32>
    %slice3A_43 = vector.extract_strided_slice %max3A_39 {offsets = [0, 0], sizes = [128, 4096], strides = [1, 1]} : vector<128x32768xf32> to vector<128x4096xf32>
    %dot_general3A_44 = arith.constant dense<0.000000e+00> : vector<1x4096xf32>
    %dot_general3A_45 = tpu.matmul %get3A_42, %slice3A_43, %dot_general3A_44 {dimension_numbers = #tpu.dot_dimension_numbers<[1], [0], [0], [1], [0, 0, 1, 1], [], []>, transpose_lhs_hint = false} : vector<1x128xf32>, vector<128x4096xf32>, vector<1x4096xf32> -> vector<1x4096xf32>
    %get3A_46 = arith.constant 0 : index
    %get3A_47 = arith.constant 0 : index
    %get3A_48 = vector.load %arg5[%get3A_46, %get3A_47] : memref<1x128xf32, #tpu.memory_space<vmem>>, vector<1x128xf32>
    %slice3A_49 = vector.extract_strided_slice %max3A_39 {offsets = [0, 4096], sizes = [128, 4096], strides = [1, 1]} : vector<128x32768xf32> to vector<128x4096xf32>
    %dot_general3A_50 = arith.constant dense<0.000000e+00> : vector<1x4096xf32>
    %dot_general3A_51 = tpu.matmul %get3A_48, %slice3A_49, %dot_general3A_50 {dimension_numbers = #tpu.dot_dimension_numbers<[1], [0], [0], [1], [0, 0, 1, 1], [], []>, transpose_lhs_hint = false} : vector<1x128xf32>, vector<128x4096xf32>, vector<1x4096xf32> -> vector<1x4096xf32>
    %get3A_52 = arith.constant 0 : index
    %get3A_53 = arith.constant 0 : index
    %get3A_54 = vector.load %arg5[%get3A_52, %get3A_53] : memref<1x128xf32, #tpu.memory_space<vmem>>, vector<1x128xf32>
    %slice3A_55 = vector.extract_strided_slice %max3A_39 {offsets = [0, 8192], sizes = [128, 4096], strides = [1, 1]} : vector<128x32768xf32> to vector<128x4096xf32>
    %dot_general3A_56 = arith.constant dense<0.000000e+00> : vector<1x4096xf32>
    %dot_general3A_57 = tpu.matmul %get3A_54, %slice3A_55, %dot_general3A_56 {dimension_numbers = #tpu.dot_dimension_numbers<[1], [0], [0], [1], [0, 0, 1, 1], [], []>, transpose_lhs_hint = false} : vector<1x128xf32>, vector<128x4096xf32>, vector<1x4096xf32> -> vector<1x4096xf32>
    %get3A_58 = arith.constant 0 : index
    %get3A_59 = arith.constant 0 : index
    %get3A_60 = vector.load %arg5[%get3A_58, %get3A_59] : memref<1x128xf32, #tpu.memory_space<vmem>>, vector<1x128xf32>
    %slice3A_61 = vector.extract_strided_slice %max3A_39 {offsets = [0, 12288], sizes = [128, 4096], strides = [1, 1]} : vector<128x32768xf32> to vector<128x4096xf32>
    %dot_general3A_62 = arith.constant dense<0.000000e+00> : vector<1x4096xf32>
    %dot_general3A_63 = tpu.matmul %get3A_60, %slice3A_61, %dot_general3A_62 {dimension_numbers = #tpu.dot_dimension_numbers<[1], [0], [0], [1], [0, 0, 1, 1], [], []>, transpose_lhs_hint = false} : vector<1x128xf32>, vector<128x4096xf32>, vector<1x4096xf32> -> vector<1x4096xf32>
    %get3A_64 = arith.constant 0 : index
    %get3A_65 = arith.constant 0 : index
    %get3A_66 = vector.load %arg5[%get3A_64, %get3A_65] : memref<1x128xf32, #tpu.memory_space<vmem>>, vector<1x128xf32>
    %slice3A_67 = vector.extract_strided_slice %max3A_39 {offsets = [0, 16384], sizes = [128, 4096], strides = [1, 1]} : vector<128x32768xf32> to vector<128x4096xf32>
    %dot_general3A_68 = arith.constant dense<0.000000e+00> : vector<1x4096xf32>
    %dot_general3A_69 = tpu.matmul %get3A_66, %slice3A_67, %dot_general3A_68 {dimension_numbers = #tpu.dot_dimension_numbers<[1], [0], [0], [1], [0, 0, 1, 1], [], []>, transpose_lhs_hint = false} : vector<1x128xf32>, vector<128x4096xf32>, vector<1x4096xf32> -> vector<1x4096xf32>
    %get3A_70 = arith.constant 0 : index
    %get3A_71 = arith.constant 0 : index
    %get3A_72 = vector.load %arg5[%get3A_70, %get3A_71] : memref<1x128xf32, #tpu.memory_space<vmem>>, vector<1x128xf32>
    %slice3A_73 = vector.extract_strided_slice %max3A_39 {offsets = [0, 20480], sizes = [128, 4096], strides = [1, 1]} : vector<128x32768xf32> to vector<128x4096xf32>
    %dot_general3A_74 = arith.constant dense<0.000000e+00> : vector<1x4096xf32>
    %dot_general3A_75 = tpu.matmul %get3A_72, %slice3A_73, %dot_general3A_74 {dimension_numbers = #tpu.dot_dimension_numbers<[1], [0], [0], [1], [0, 0, 1, 1], [], []>, transpose_lhs_hint = false} : vector<1x128xf32>, vector<128x4096xf32>, vector<1x4096xf32> -> vector<1x4096xf32>
    %get3A_76 = arith.constant 0 : index
    %get3A_77 = arith.constant 0 : index
    %get3A_78 = vector.load %arg5[%get3A_76, %get3A_77] : memref<1x128xf32, #tpu.memory_space<vmem>>, vector<1x128xf32>
    %slice3A_79 = vector.extract_strided_slice %max3A_39 {offsets = [0, 24576], sizes = [128, 4096], strides = [1, 1]} : vector<128x32768xf32> to vector<128x4096xf32>
    %dot_general3A_80 = arith.constant dense<0.000000e+00> : vector<1x4096xf32>
    %dot_general3A_81 = tpu.matmul %get3A_78, %slice3A_79, %dot_general3A_80 {dimension_numbers = #tpu.dot_dimension_numbers<[1], [0], [0], [1], [0, 0, 1, 1], [], []>, transpose_lhs_hint = false} : vector<1x128xf32>, vector<128x4096xf32>, vector<1x4096xf32> -> vector<1x4096xf32>
    %get3A_82 = arith.constant 0 : index
    %get3A_83 = arith.constant 0 : index
    %get3A_84 = vector.load %arg5[%get3A_82, %get3A_83] : memref<1x128xf32, #tpu.memory_space<vmem>>, vector<1x128xf32>
    %slice3A_85 = vector.extract_strided_slice %max3A_39 {offsets = [0, 28672], sizes = [128, 4096], strides = [1, 1]} : vector<128x32768xf32> to vector<128x4096xf32>
    %dot_general3A_86 = arith.constant dense<0.000000e+00> : vector<1x4096xf32>
    %dot_general3A_87 = tpu.matmul %get3A_84, %slice3A_85, %dot_general3A_86 {dimension_numbers = #tpu.dot_dimension_numbers<[1], [0], [0], [1], [0, 0, 1, 1], [], []>, transpose_lhs_hint = false} : vector<1x128xf32>, vector<128x4096xf32>, vector<1x4096xf32> -> vector<1x4096xf32>
    %concatenate3A_88 = tpu.concatenate %dot_general3A_45, %dot_general3A_51, %dot_general3A_57, %dot_general3A_63, %dot_general3A_69, %dot_general3A_75, %dot_general3A_81, %dot_general3A_87 in 0 : vector<1x4096xf32>, vector<1x4096xf32>, vector<1x4096xf32>, vector<1x4096xf32>, vector<1x4096xf32>, vector<1x4096xf32>, vector<1x4096xf32>, vector<1x4096xf32> -> vector<8x4096xf32>
    %get3A_89 = arith.constant 0 : index
    %get3A_90 = arith.constant 0 : index
    %get3A_91 = memref.load %arg6[%get3A_89, %get3A_90] : memref<1x1xf32, #tpu.memory_space<smem>>
    %add3A_92 = vector.broadcast %get3A_91 : f32 to vector<8x4096xf32>
    %add3A_93 = arith.addf %concatenate3A_88, %add3A_92 : vector<8x4096xf32>
    %swap3A = arith.constant 0 : index
    %swap3A_94 = arith.constant 0 : index
    %swap3A_95 = vector.load %arg7[%swap3A, %swap3A_94] : memref<8x4096xf32, #tpu.memory_space<vmem>>, vector<8x4096xf32>
    tpu.vector_store %arg7[%swap3A, %swap3A_94], %add3A_93 {strides = array<i32>} : memref<8x4096xf32, #tpu.memory_space<vmem>>, vector<8x4096xf32>,
    return
  }
  func.func @transform_0(%arg0: i32) -> (i32, i32) {
    %c0_i32 = arith.constant 0 : i32
    %c0_i32_0 = arith.constant 0 : i32
    return %c0_i32, %arg0 : i32, i32
  }
  func.func @transform_1(%arg0: i32) -> (i32, i32, i32) {
    %c0_i32 = arith.constant 0 : i32
    %c0_i32_0 = arith.constant 0 : i32
    %c0_i32_1 = arith.constant 0 : i32
    return %arg0, %c0_i32, %c0_i32_0 : i32, i32, i32
  }
  func.func @transform_2(%arg0: i32) -> (i32, i32) {
    %c0_i32 = arith.constant 0 : i32
    %c0_i32_0 = arith.constant 0 : i32
    %c0_i32_1 = arith.constant 0 : i32
    return %c0_i32, %c0_i32_0 : i32, i32
  }
  func.func @transform_3(%arg0: i32) -> (i32, i32) {
    %c0_i32 = arith.constant 0 : i32
    %c0_i32_0 = arith.constant 0 : i32
    %c0_i32_1 = arith.constant 0 : i32
    return %c0_i32, %c0_i32_0 : i32, i32
  }
  func.func @transform_4(%arg0: i32) -> (i32, i32) {
    %c0_i32 = arith.constant 0 : i32
    %c0_i32_0 = arith.constant 0 : i32
    %c0_i32_1 = arith.constant 0 : i32
    return %c0_i32, %c0_i32_0 : i32, i32
  }
  func.func @transform_5(%arg0: i32) -> (i32, i32) {
    %c0_i32 = arith.constant 0 : i32
    %c0_i32_0 = arith.constant 0 : i32
    %c0_i32_1 = arith.constant 0 : i32
    return %c0_i32, %c0_i32_0 : i32, i32
  }
  func.func @transform_6(%arg0: i32) -> (i32, i32) {
    %c0_i32 = arith.constant 0 : i32
    %c0_i32_0 = arith.constant 0 : i32
    return %arg0, %c0_i32 : i32, i32
  }
}

</mosaic_0001>

<sc_bundles>
// kernel: kernel.5.cloned.1.call-start
scs
__scs_entry_jumppad:
0x0: {  	(pc) =	sbr.rel $0x88, $3  }
0x1: {  	(tag) =	ssettag $0x0;
	lr =	simm.s32 $0x1  }
0x2: {  	[smem:$0x3F9A] =	sst lr;
	_ =	strace $0xD0000000  }
0x3: {  	_ = 	snop  }
0x4: {  	_ = 	snop  }
0x5: {  	_ = 	snop  }
0x6: {  	_ = 	snop  }
0x7: {  	_ = 	snop  }
__scs_overlays_trampoline_lowered:
0x8: {  	[smem:$0x3FA9] =	sst s0  }
0x9: {  	[smem:$0x3FAA] =	sst s1  }
0xa: {  	[smem:$0x3FAB] =	sst s2  }
0xb: {  	[smem:$0x3FAC] =	sst s3  }
0xc: {  	[smem:$0x3FAD] =	sst s4  }
0xd: {  	[smem:$0x3FAE] =	sst s5  }
0xe: {  	[smem:$0x3FAF] =	sst s6  }
0xf: {  	[smem:$0x3FB0] =	sst s7  }
0x10: {  	[smem:$0x3FB1] =	sst s8  }
0x11: {  	[smem:$0x3FB2] =	sst s9;
	s0 =	simm.s32 @!p0 $0x0  }
0x12: {  	s1 =	sld [smem:$0x3F98];
	s0 =	simm.s32 @p0 $0x1  }
0x13: {  	[smem:$0x3FB3] =	sst s0;
	s0 =	simm.s32 @!p1 $0x0  }
0x14: {  	s2 =	sld [smem:$0x3F97];
	s0 =	simm.s32 @p1 $0x1  }
0x15: {  	[smem:$0x3FB4] =	sst s0;
	s0 =	simm.s32 @!p2 $0x0  }
0x16: {  	s3 =	sld [smem:$0x3FDB];
	s0 =	simm.s32 @p2 $0x1  }
0x17: {  	s4 =	simm.s32 $0x1BF5;
	[smem:$0x3FB6] =	sst s0  }
0x18: {  	s0 =	sld [smem:$0x3F99];
	_ =	swait.ge [sflag:s4], $0x0  }
0x19: {  	s7 =	sld [smem:$0x3F9A]  }
0x1a: {  	s8 =	sadd.s32 $0xFFFFE003, lr  }
0x1b: {  	s9 =	sadd.s32 $0xFFFFFEF7, lr;
	s5 =	simm.s32 $0xFFFFFFFF;
	p2 =	slt.u32 s8, $0xFFFFF086  }
0x1c: {  	p1 =	slt.u32 s9, $0xF7A;
	s5 =	simm.s32 @!p2 $0x0  }
0x1d: {  	s5 =	simm.s32 @p1 $0x1;
	p0 =	seq.s32 s7, s2  }
0x1e: {  	s7 =	smul.u32 @!p0 $0xF7A, s2;
	p2 =	seq.s32 @!p0 s5, $0x0  }
0x1f: {  	s9 =	smul.u32 $0xF7A, s1;
	s8 =	simm.s32 @!p0 $0x1BF5;
	p2 =	por !p2, p0  }
0x20: {  	[sflag:s8] =	ssyncset.s32 @!p0 $0xFFFFF086;
	s6 =	sadd.s32 @!p0 s3, s7;
	s7 =	simm.s32 @!p0 $0x108  }
0x21: {  	s3 =	sadd.s32 s3, s9;
	s6 =	sadd.s32 @!p0 $0x88, s6;
	s7 =	simm.s32 @p2 $0x1082  }
0x22: {  	[simem:s7], [sflag:s8] =	dma.local @!p0 [hbm:s6], $0xF7A  }
0x23: {  	s9 =	sor.u32 $0xD0000000, s2;
	s6 =	simm.s32 $0x108;
	_ =	swait.ge @!p0 [sflag:s8], $0x0  }
0x24: {  	s3 =	sadd.s32 $0x88, s3;
	s6 =	simm.s32 @!p1 $0x1082;
	[sflag:s4] =	ssyncset.s32 $0xFFFFF086  }
0x25: {  	[simem:s6], [sflag:s4] =	dma.local [hbm:s3], $0xF7A  }
0x26: {  	[smem:$0x3F9A] =	sst s1;
	(tag) =	ssettag s2;
	_ =	strace s9  }
0x27: {  	s1 =	sld [smem:$0x3FAA]  }
0x28: {  	s2 =	sld [smem:$0x3FAB]  }
0x29: {  	s4 =	sld [smem:$0x3FAD]  }
0x2a: {  	p0 =	seq.s32 s5, $0x0;
	s5 =	sld [smem:$0x3FAE]  }
0x2b: {  	s6 =	sld [smem:$0x3FAF]  }
0x2c: {  	s7 =	sld [smem:$0x3FB0]  }
0x2d: {  	s3 =	simm.s32 $0x108;
	s8 =	sld [smem:$0x3FB1]  }
0x2e: {  	s3 =	simm.s32 @!p0 $0x1082;
	s9 =	sld [smem:$0x3FB2]  }
0x2f: {  	lr =	sadd.s32 s0, s3;
	s0 =	sld [smem:$0x3FA9]  }
0x30: {  	s3 =	sld [smem:$0x3FAC]  }
0x31: {  	[smem:$0x3FB5] =	sst s10  }
0x32: {  	s10 =	sld [smem:$0x3FB3];
	_ =	sdelay $0x3  }
0x33: {  	p0 =	seq.s32 s10, $0x1;
	s10 =	sld [smem:$0x3FB5];
	_ =	sdelay $0x3  }
0x34: {  	[smem:$0x3FB5] =	sst s10  }
0x35: {  	s10 =	sld [smem:$0x3FB4];
	_ =	sdelay $0x3  }
0x36: {  	p1 =	seq.s32 s10, $0x1;
	s10 =	sld [smem:$0x3FB5];
	_ =	sdelay $0x3  }
0x37: {  	[smem:$0x3FB5] =	sst s10  }
0x38: {  	s10 =	sld [smem:$0x3FB6]  }
0x39: {  	_ = 	snop;
	(pc) =	sbr.ind lr, $3  }
0x3a: {  	_ = 	snop  }
0x3b: {  	_ = 	snop  }
0x3c: {  	p2 =	seq.s32 s10, $0x1;
	s10 =	sld [smem:$0x3FB5]  }
0x3d: {  	_ =	shalt  }
0x3e: {  	_ =	shalt  }
0x3f: {  	_ =	shalt  }
0x40: {  	_ =	shalt  }
0x41: {  	_ =	shalt  }
0x42: {  	_ =	shalt  }
0x43: {  	_ =	shalt  }
0x44: {  	_ =	shalt  }
0x45: {  	_ =	shalt  }
0x46: {  	_ =	shalt  }
0x47: {  	_ =	shalt  }
0x48: {  	_ =	shalt  }
0x49: {  	_ =	shalt  }
0x4a: {  	_ =	shalt  }
0x4b: {  	_ =	shalt  }
0x4c: {  	_ =	shalt  }
0x4d: {  	_ =	shalt  }
0x4e: {  	_ =	shalt  }
0x4f: {  	_ =	shalt  }
0x50: {  	_ =	shalt  }
0x51: {  	_ =	shalt  }
0x52: {  	_ =	shalt  }
0x53: {  	_ =	shalt  }
0x54: {  	_ =	shalt  }
0x55: {  	_ =	shalt  }
0x56: {  	_ =	shalt  }
0x57: {  	_ =	shalt  }
0x58: {  	_ =	shalt  }
0x59: {  	_ =	shalt  }
0x5a: {  	_ =	shalt  }
0x5b: {  	_ =	shalt  }
0x5c: {  	_ =	shalt  }
0x5d: {  	_ =	shalt  }
0x5e: {  	_ =	shalt  }
0x5f: {  	_ =	shalt  }
0x60: {  	_ =	shalt  }
0x61: {  	_ =	shalt  }
0x62: {  	_ =	shalt  }
0x63: {  	_ =	shalt  }
0x64: {  	_ =	shalt  }
0x65: {  	_ =	shalt  }
0x66: {  	_ =	shalt  }
0x67: {  	_ =	shalt  }
0x68: {  	_ =	shalt  }
0x69: {  	_ =	shalt  }
0x6a: {  	_ =	shalt  }
0x6b: {  	_ =	shalt  }
0x6c: {  	_ =	shalt  }
0x6d: {  	_ =	shalt  }
0x6e: {  	_ =	shalt  }
0x6f: {  	_ =	shalt  }
0x70: {  	_ =	shalt  }
0x71: {  	_ =	shalt  }
0x72: {  	_ =	shalt  }
0x73: {  	_ =	shalt  }
0x74: {  	_ =	shalt  }
0x75: {  	_ =	shalt  }
0x76: {  	_ =	shalt  }
0x77: {  	_ =	shalt  }
0x78: {  	_ =	shalt  }
0x79: {  	_ =	shalt  }
0x7a: {  	_ =	shalt  }
0x7b: {  	_ =	shalt  }
0x7c: {  	_ =	shalt  }
0x7d: {  	_ =	shalt  }
0x7e: {  	_ =	shalt  }
0x7f: {  	_ =	shalt  }
0x80: {  	_ =	shalt  }
0x81: {  	_ =	shalt  }
0x82: {  	_ =	shalt  }
0x83: {  	_ =	shalt  }
0x84: {  	_ =	shalt  }
0x85: {  	_ =	shalt  }
0x86: {  	_ =	shalt  }
0x87: {  	_ =	shalt  }
.Lfunc_end0:
.L_simem_size_0:
called_computation_lowered:
.L_overlay_start_0:
0x88: {  	s2 =	sld [smem:$0x3FD9]  }
0x89: {  	s3 =	sld [smem:$0x3FFE];
	_ =	sdelay $0x1  }
0x8a: {  	s1 =	srdreg.scid  }
0x8b: {  	s0 =	sand.u32 $0x1, s1  }
0x8c: {  	s17 =	sshll.u32 s0, $0xA;
	s2 =	sadd.s32 s3, s2  }
0x8d: {  	s2 =	sadd.s32 s2, s17  }
0x8e: {  	[smem:$0x3FC1] =	sst s2  }
0x8f: {  	_ = 	snop  }
0x90: {  	s2 =	sld [smem:$0x3FC7];
	(tm) =	ssettm $0x1  }
0x91: {  	s18 =	sld [smem:$0x3FFB];
	_ =	sdelay $0x3  }
0x92: {  	_ =	strace s18  }
0x93: {  	s3 =	sld [smem:$0x3FFC];
	_ =	sdelay $0x3  }
0x94: {  	_ =	strace s3  }
0x95: {  	s3 =	sld [smem:$0x3FFD];
	_ =	sdelay $0x3  }
0x96: {  	_ =	strace s3  }
0x97: {  	_ =	strace $0x8FFFFFFF  }
0x98: {  	s19 =	sld [smem:$0x3FDB];
	_ =	sdelay $0x1  }
0x99: {  	s4 =	simm.s32 $_scs_section_size  }
0x9a: {  	s5 =	simm.s32 $_size__tile_overlayer_lowered;
	s6 =	simm.s32 $_tile_overlayer_lowered  }
0x9b: {  	s22 =	simm.s32 $0x1BFF;
	s21 =	sshll.u32 s6, $0x1;
	s3 =	sadd.s32 s4, s19  }
0x9c: {  	s7 =	simm.s32 $0x0;
	s20 =	sshll.u32 s5, $0x1;
	s5 =	sadd.s32 s21, s3  }
0x9d: {  	[timem:s7], [sflag:s22] =	dma.local [hbm:s5], s20  }
0x9e: {  	_ =	swait.ge [sflag:s22], s20  }
0x9f: {  	s4 =	ssub.s32 $0x0, s20;
	[sflag:s22] =	ssyncset.done $0x0  }
0xa0: {  	[sflag:s22] =	ssyncadd.s32 s4;
	_ =	sdelay $0x1  }
0xa1: {  	s23 =	simm.s32 $0x1B8B  }
0xa2: {  	_ =	swait.ge [sflag:s23], $0x1  }
0xa3: {  	[sflag:s23] =	ssyncset.done $0x0  }
0xa4: {  	s25 =	simm.s32 $0x1B8E;
	s24 =	sld [smem:$0x3FFE];
	[sflag:s23] =	ssyncadd.s32 $0xFFFFFFFF  }
0xa5: {  	s26 =	simm.s32 $execute0_lowered;
	[smem:$0x3FD2] =	sst s25  }
0xa6: {  	s5 =	sshll.u32 s26, $0x1;
	_ =	strace $0x80000046;
	[dreg:$0x1] =	wrdreg $0xFFFFFFFF  }
0xa7: {  	s28 =	simm.s32 $_size_execute0_lowered;
	s3 =	sadd.s32 s3, s5;
	[dreg:$0x0] =	wrdreg $0x0  }
0xa8: {  	s5 =	sshll.u32 s28, $0x1;
	[dreg:$0x2] =	wrdreg s3  }
0xa9: {  	[dreg:$0x3] =	wrdreg s5  }
0xaa: {  	[dreg:$0x4] =	wrdreg $0xC0  }
0xab: {  	_ =	task [dreg:s7], $0x5FFFF  }
0xac: {  	[dreg:$0x1] =	wrdreg $0xFFFFFFFF  }
0xad: {  	[dreg:$0x0] =	wrdreg $0x60  }
0xae: {  	[dreg:$0x2] =	wrdreg s2  }
0xaf: {  	[dreg:$0x3] =	wrdreg s24  }
0xb0: {  	[dreg:$0x4] =	wrdreg $0x9  }
0xb1: {  	_ =	task.clear_ibuf [dreg:s7], $0x5FFFF;
	_ =	strace $0x90000046  }
0xb2: {  	s29 =	simm.s32 $0x9;
	_ =	strace $0x80000048  }
0xb3: {  	_ =	swait.ge [sflag:s29], $0x1  }
0xb4: {  	[sflag:s29] =	ssyncadd.s32 $0xFFFFFFFF  }
0xb5: {  	_ =	strace $0x90000048  }
0xb6: {  	_ =	sfence  }
0xb7: {  	s30 =	sld [smem:$0x0];
	_ =	sdelay $0x2  }
0xb8: {  	s31 =	sshll.u32 s1, $0xD;
	s1 =	sshrl.u32 s1, $0x2  }
0xb9: {  	s3 =	sand.u32 $0x4000, s31;
	s1 =	sadd.s32 s1, s30  }
0xba: {  	s0 =	sor.u32 s3, s0;
	s1 =	sshll.u32 s1, $0x11  }
0xbb: {  	s0 =	sor.u32 s1, s0  }
0xbc: {  	s0 =	sadd.s32 $0x8F2B, s0  }
0xbd: {  	[sflag:s0] =	ssyncadd.remote.s32 $0x1  }
0xbe: {  	_ =	sfence.sel $0xFFFF  }
0xbf: {  	[dreg:$0x0] =	wrdreg $0xFFFFFFFF;
	(pc) =	sbr.abs _section_cstart, $3  }
0xc0: {  	[dreg:$0x1] =	wrdreg $0xFFFFFFFF  }
0xc1: {  	_ =	task.clear_ibuf [dreg:s7], $0x2FFFF;
	_ =	strace $0x9FFFFFFF  }
0xc2: {  	(tm) =	ssettm $0x7FFFFFFF  }
0xc3: {  	_ =	shalt  }
tec
execute0_lowered:
.L_overlay_start_1:
0x0: {  	(tag) =	ssettag $0x1  }
0x1: {  	s2 =	rddreg [dreg:$0x0]  }
0x2: {  	s5 =	rddreg [dreg:$0x1]  }
0x3: {  	s0 =	rddreg [dreg:$0x2]  }
0x4: {  	s4 =	srdreg.scid;
	s1 =	stileid.u32  }
0x5: {  	s3 =	simm.s32 $0x0;
	s4 =	sand.u32 $0x1, s4;
	s6 =	sshll.u32 s1, $0x1  }
0x6: {  	[smem:$0x7FF] =	sst s3;
	s6 =	sor.u32 s4, s6;
	s7 =	ssub.s32 $0x2, s4  }
0x7: {  	_ =	strace $0x80000047;
	s4 =	sadd.s32 $0x600, s5;
	s8 =	sshll.u32 s6, $0xC  }
0x8: {  	s9 =	sshrl.u32 s7, $0x1;
	s31 =	sshll.u32 s6, $0xF;
	s5 =	sadd.s32 s8, s5  }
0x9: {  	s7 =	ssub.s32 s7, s9;
	s8 =	simm.s32 $0x1;
	s9 =	simm.s32 $0x0  }
0xa: {  	v1 =	vimm.f32 $-3.402823470e+38;
	v0 =	vmov s31;
	s5 =	sadd.s32 $0x1600, s5;
	s6 =	smax.u32 s7, $0x1;
	s7 =	simm.s32 $0x10000  }
.LBB2_1:
0xb: {  	[tilespmem:s7], [sflag:$0x1] =	stream.linear.gather [hbm4b:s4+s3], $0x8000, $0x38;
	[tilespmem:$0x18000] =	vst v63  }
0xc: {  	_ =	swait.ge [sflag:s8], $0x8000  }
0xd: {  	[sflag:s8] =	ssyncset.done $0x0  }
0xe: {  	[sflag:s8] =	ssyncadd.s32 $0xFFFF8000  }
0xf: {  	[tilespmem:s3], [sflag:$0x1] =	stream.linear.gather [hbm4b:s2+s3], $0x10000, $0x38;
	[tilespmem:$0x18000] =	vst v63  }
0x10: {  	_ =	swait.ge [sflag:s8], $0x10000  }
0x11: {  	[sflag:s8] =	ssyncset.done $0x0  }
0x12: {  	s10 =	simm.s32 $0xFFFFFFFC;
	s11 =	simm.s32 $0x20;
	[sflag:s8] =	ssyncadd.s32 $0xFFFF0000  }
.LBB2_2:
0x13: {  	v2 =	vld [tilespmem:s11+$0xFFFFFFE0];
	_ =	sdelay $0x4  }
0x14: {  	v2 =	vsub.s32 v2, v0  }
0x15: {  	vm0 =	vgt.s32 v2, $0x0  }
0x16: {  	v3 =	vnsel vm0, $0x0, v2  }
0x17: {  	v3 =	vmin.u32 v3, $0x7FFF  }
0x18: {  	v4 =	vshrl.u32 v3, $0x5  }
0x19: {  	v5 =	vand.u32 $0x7F, v3;
	v3 =	vshll.u32 v3, $0x3;
	v4 =	vand.u32 $0x380, v4  }
0x1a: {  	vm9 =	vlt.u32 v2, $0x8000;
	v2 =	vand.u32 $0x7C00, v3;
	v3 =	vor.u32 v5, v4  }
0x1b: {  	v2 =	vor.u32 v2, v3;
	_ =	sdelay $0x4  }
0x1c: {  	[tilespmem:v2+s7+$0x0] =	vst.idx.msk vm9, v1  }
0x1d: {  	v2 =	vld [tilespmem:s11+$0xFFFFFFF0];
	_ =	sdelay $0x4  }
0x1e: {  	v2 =	vsub.s32 v2, v0  }
0x1f: {  	vm10 =	vgt.s32 v2, $0x0  }
0x20: {  	v3 =	vnsel vm10, $0x0, v2  }
0x21: {  	v3 =	vmin.u32 v3, $0x7FFF  }
0x22: {  	v58 =	vshrl.u32 v3, $0x5  }
0x23: {  	v59 =	vand.u32 $0x7F, v3;
	v3 =	vshll.u32 v3, $0x3;
	v4 =	vand.u32 $0x380, v58  }
0x24: {  	vm11 =	vlt.u32 v2, $0x8000;
	v2 =	vand.u32 $0x7C00, v3;
	v3 =	vor.u32 v59, v4  }
0x25: {  	v2 =	vor.u32 v2, v3;
	_ =	sdelay $0x4  }
0x26: {  	[tilespmem:v2+s7+$0x0] =	vst.idx.msk vm11, v1  }
0x27: {  	v2 =	vld [tilespmem:s11+$0x0];
	_ =	sdelay $0x4  }
0x28: {  	v2 =	vsub.s32 v2, v0  }
0x29: {  	vm12 =	vgt.s32 v2, $0x0  }
0x2a: {  	v3 =	vnsel vm12, $0x0, v2  }
0x2b: {  	v3 =	vmin.u32 v3, $0x7FFF  }
0x2c: {  	v60 =	vshrl.u32 v3, $0x5  }
0x2d: {  	v61 =	vand.u32 $0x7F, v3;
	v3 =	vshll.u32 v3, $0x3;
	v4 =	vand.u32 $0x380, v60  }
0x2e: {  	vm13 =	vlt.u32 v2, $0x8000;
	v2 =	vand.u32 $0x7C00, v3;
	v3 =	vor.u32 v61, v4  }
0x2f: {  	v2 =	vor.u32 v2, v3;
	_ =	sdelay $0x4  }
0x30: {  	[tilespmem:v2+s7+$0x0] =	vst.idx.msk vm13, v1  }
0x31: {  	v2 =	vld [tilespmem:s11+$0x10];
	_ =	sdelay $0x4  }
0x32: {  	v2 =	vsub.s32 v2, v0  }
0x33: {  	vm14 =	vgt.s32 v2, $0x0  }
0x34: {  	v3 =	vnsel vm14, $0x0, v2  }
0x35: {  	v3 =	vmin.u32 v3, $0x7FFF  }
0x36: {  	v62 =	vshrl.u32 v3, $0x5  }
0x37: {  	v63 =	vand.u32 $0x7F, v3;
	v3 =	vshll.u32 v3, $0x3;
	v4 =	vand.u32 $0x380, v62  }
0x38: {  	s10 =	sadd.s32 $0x4, s10;
	vm15 =	vlt.u32 v2, $0x8000;
	v2 =	vand.u32 $0x7C00, v3;
	v3 =	vor.u32 v63, v4  }
0x39: {  	p0 =	slt.u32 s10, $0xFFC;
	v2 =	vor.u32 v2, v3  }
.Ltmp0:
0x3a: {  	_ = 	snop;
	(pc) =	sbr.rel @p0 .LBB2_2-.Ltmp0, $2  }
0x3b: {  	_ =	sdelay $0x2  }
0x3c: {  	s11 =	sadd.s32 $0x40, s11;
	[tilespmem:v2+s7+$0x0] =	vst.idx.msk vm15, v1  }
0x3d: {  	s9 =	sadd.s32 $0x1, s9  }
0x3e: {  	p0 =	sne.s32 s9, s6  }
.Ltmp1:
0x3f: {  	_ = 	snop;
	(pc) =	sbr.rel @p0 .LBB2_1-.Ltmp1, $4  }
0x40: {  	[hbm4b:s5+s3] =	stream.linear.scatter [tilespmem:s7], [sflag:$0x1], $0x8000, $0x38;
	[tilespmem:$0x18000] =	vst v63  }
0x41: {  	_ =	swait.ge [sflag:s8], $0x8000  }
0x42: {  	[sflag:s8] =	ssyncset.done $0x0  }
0x43: {  	[sflag:s8] =	ssyncadd.s32 $0xFFFF8000  }
0x44: {  	_ =	sfence.sel $0x180000  }
0x45: {  	[bflag:$0x0] =	sbarrier.arrive $0xFFFF  }
0x46: {  	p0 =	sne.s32 s1, $0x0;
	_ =	strace $0x90000047  }
0x47: {  	s0 =	sadd.s32 @!p0 $0x100000, s0;
	[bflag:$0x2] =	sbarrier.arrive $0xFFFF  }
0x48: {  	[sflag:s0] =	ssyncadd.tile.s32 @!p0 $0x1;
	_ =	shalt  }
.Lfunc_end2:
_tile_overlayer_lowered:
.L_overlay_start_2:
0x49: {  	(tag) =	ssettag $0x2  }
0x4a: {  	s0 =	rddreg [dreg:$0x0];
	s2 =	stileid.u32  }
0x4b: {  	s1 =	rddreg [dreg:$0x1];
	p0 =	sne.s32 s2, $0x0  }
0x4c: {  	s3 =	rddreg [dreg:$0x2];
	[bflag:$0x3] =	sbarrier.arrive $0xFFFF;
	s2 =	simm.s32 @!p0 $0x1C01  }
0x4d: {  	[timem:s3], [sflag:s2] =	dma.local @!p0 [hbm:s0], s1  }
0x4e: {  	s0 =	simm.s32 @!p0 $0x1  }
0x4f: {  	_ =	swait.ge @!p0 [sflag:s0], s1  }
0x50: {  	s1 =	ssub.s32 @!p0 $0x0, s1;
	[sflag:s0] =	ssyncset.done @!p0 $0x0  }
0x51: {  	[sflag:s0] =	ssyncadd.s32 @!p0 s1  }
0x52: {  	[bflag:$0x3] =	sbarrier.arrive $0xFFFF  }
0x53: {  	_ =	shalt  }

</sc_bundles>
